<compile_context>
chip_gen: v7x
topology: tpu7x:2x2x1
jax: 0.10.2.dev20260603
libtpu: 0.0.44.dev20260713+nightly
codegen_flags: <defaults>
</compile_context>

<pallas_src>
import functools

import jax
import jax.numpy as jnp
from jax import lax
from jax.experimental import pallas as pl
from jax.experimental.pallas import tpu as pltpu
from jax.experimental.pallas import tpu_sc as plsc

S = 32
B = 16384
NW = 32
BPW = B // NW
NROW = S + 1
NIDX = NROW * BPW
CHUNK = 128
NCH = NIDX // CHUNK
LN2 = 0.6931471805599453


def _sc_body(idx_hbm, w_hbm, out_hbm,
             i0r, i1r, i2r, i3r, i4r, idxb, gat, outv, sem):
    wid = lax.axis_index("s") * 2 + lax.axis_index("c")
    base_b = wid * BPW

    for r, ref in enumerate((i0r, i1r, i2r, i3r, i4r)):
        pltpu.sync_copy(idx_hbm.at[pl.ds(r * B + base_b, BPW)], ref)

    def fill(oc, _):
        sl = pl.ds(oc * 16, 16)
        i1v = i1r[sl]
        i2v = i2r[sl]
        i3v = i3r[sl]
        i4v = i4r[sl]
        offv = ((i1v * S + i2v) * S + i3v) * S + i4v

        def fill_s(s1, _):
            idxb[pl.ds(s1 * BPW + oc * 16, 16)] = offv + s1 * (1 << 20)
            return 0

        lax.fori_loop(0, S, fill_s, 0)
        i0v = i0r[sl]
        idxb[pl.ds(S * BPW + oc * 16, 16)] = offv + i0v * (1 << 20)
        return 0

    lax.fori_loop(0, BPW // 16, fill, 0)

    def fire(c, _):
        pltpu.async_copy(w_hbm.at[idxb.at[pl.ds(c * CHUNK, CHUNK)]],
                         gat.at[pl.ds(c * CHUNK, CHUNK)], sem)
        return 0

    lax.fori_loop(0, NCH, fire, 0)
    pltpu.make_async_copy(w_hbm.at[pl.ds(0, NIDX)], gat, sem).wait()

    def comp(oc, _):
        base = oc * 16

        def mx(s1, m):
            return jnp.maximum(m, gat[pl.ds(s1 * BPW + base, 16)])

        m = lax.fori_loop(1, S, mx, gat[pl.ds(base, 16)])

        def sm(s1, acc):
            return acc + jnp.exp(gat[pl.ds(s1 * BPW + base, 16)] - m)

        s = lax.fori_loop(0, S, sm, jnp.zeros((16,), jnp.float32))

        bi = lax.bitcast_convert_type(s, jnp.int32)
        e = lax.shift_right_logical(bi, 23) - 127
        mant = lax.bitcast_convert_type(
            (bi & 0x007FFFFF) | 0x3F800000, jnp.float32)
        big = mant > 1.4142135623730951
        mant = jnp.where(big, mant * 0.5, mant)
        e = jnp.where(big, e + 1, e)
        t = (mant - 1.0) / (mant + 1.0)
        t2 = t * t
        poly = 1.0 + t2 * (1.0 / 3.0 + t2 * (1.0 / 5.0 + t2 * (
            1.0 / 7.0 + t2 * (1.0 / 9.0))))
        logs = 2.0 * t * poly + e.astype(jnp.float32) * LN2
        lse = m + logs
        outv[pl.ds(base, 16)] = gat[pl.ds(S * BPW + base, 16)] - lse
        return 0

    lax.fori_loop(0, BPW // 16, comp, 0)

    pltpu.sync_copy(outv, out_hbm.at[pl.ds(base_b, BPW)])


_sc_call = functools.partial(
    pl.kernel,
    out_type=jax.ShapeDtypeStruct((B,), jnp.float32),
    mesh=plsc.VectorSubcoreMesh(core_axis_name="c", subcore_axis_name="s"),
    scratch_types=[
        pltpu.VMEM((BPW,), jnp.int32),
        pltpu.VMEM((BPW,), jnp.int32),
        pltpu.VMEM((BPW,), jnp.int32),
        pltpu.VMEM((BPW,), jnp.int32),
        pltpu.VMEM((BPW,), jnp.int32),
        pltpu.VMEM((NIDX,), jnp.int32),
        pltpu.VMEM((NIDX,), jnp.float32),
        pltpu.VMEM((BPW,), jnp.float32),
        pltpu.SemaphoreType.DMA,
    ],
)(_sc_body)


def kernel(idx, w):
    idxf = idx.reshape(-1)
    wf = w.reshape(-1)
    return _sc_call(idxf, wf)

# --- scband reference (transcript-rebuilt; emitter-appended) ---
"""Pipeline reference for scband-effect-25769803805 (READ-ONLY COPY).

The authoritative reference and input builder live on the scoring server;
editing this copy changes nothing except your own understanding.
"""

import jax, jax.numpy as jnp
import numpy as np

S1 = S2 = S3 = S4 = A = 32
B = 16384

def setup_inputs(seed: int = 0) -> dict:
    key = jax.random.key(seed)
    k1, k2 = jax.random.split(key)
    # idx rows: (new_state, old_s1, old_s2, node, action) -- the tuple produced by s.get_effect(a2b)
    idx = jax.random.randint(k1, (5, B), 0, S1)
    # learned parameter w (original init is zeros; use small random values so logsumexp is nontrivial)
    w = jax.random.normal(k2, (S1, S2, S3, S4, A), dtype=jnp.float32) * 0.02
    return {"idx": idx, "w": w}

def reference(idx, w):
    i0 = idx[0]
    i1 = idx[1]
    i2 = idx[2]
    i3 = idx[3]
    i4 = idx[4]
    # w[:, old_s1, old_s2, node, a] -> [S1, B] slab gathered per lookup
    slab = w[:, i1, i2, i3, i4]
    cste = jax.nn.logsumexp(slab, axis=0)  # [B]
    # w[s.get_effect(...)] -> fully-indexed gather [B]
    num = w[i0, i1, i2, i3, i4]
    return num - cste

if __name__ == "__main__":
    import jax
    _d = setup_inputs()
    print(jax.jit(kernel)(*tuple(_d.values())))

</pallas_src>

<mosaic_0001>
#map = affine_map<(d0, d1) -> (0)>
module attributes {stable_mosaic.version = 14 : i64} {
  func.func @_sc_body(%arg0: i32, %arg1: i32, %arg2: memref<81920xi32, #tpu.memory_space<hbm>>, %arg3: memref<33554432xf32, #tpu.memory_space<hbm>>, %arg4: memref<16384xf32, #tpu.memory_space<hbm>>, %arg5: memref<512xi32, #tpu.memory_space<vmem>>, %arg6: memref<512xi32, #tpu.memory_space<vmem>>, %arg7: memref<512xi32, #tpu.memory_space<vmem>>, %arg8: memref<512xi32, #tpu.memory_space<vmem>>, %arg9: memref<512xi32, #tpu.memory_space<vmem>>, %arg10: memref<16896xi32, #tpu.memory_space<vmem>>, %arg11: memref<16896xf32, #tpu.memory_space<vmem>>, %arg12: memref<512xf32, #tpu.memory_space<vmem>>, %arg13: memref<!tpu.dma_semaphore, #tpu.memory_space<semaphore_mem>>) attributes {dimension_semantics = [#tpu.dimension_semantics<core_parallel>, #tpu.dimension_semantics<subcore_parallel>], iteration_bounds = array<i64: 2, 16>, scalar_prefetch = 0 : i64, scratch_operands = 9 : i64, tpu.core_type = #tpu.core_type<sc_vector_subcore>, window_params = [{transform_indices = #map}, {transform_indices = #map}, {transform_indices = #map}]} {
    %mul3A = arith.constant 2 : i32
    %mul3A_0 = arith.muli %arg1, %mul3A : i32
    %add3A = arith.addi %mul3A_0, %arg0 : i32
    %mul3A_1 = arith.constant 512 : i32
    %mul3A_2 = arith.muli %add3A, %mul3A_1 : i32
    %add3A_3 = arith.constant 0 : i32
    %add3A_4 = arith.addi %add3A_3, %mul3A_2 : i32
    "tpu.region"() ({
      %run_scoped3A = tpu.sem_alloc : memref<!tpu.dma_semaphore, #tpu.memory_space<semaphore_mem>>
      %dma_start3A = tpu.memref_slice %arg2[%add3A_4] : memref<81920xi32, #tpu.memory_space<hbm>> -> memref<512xi32, #tpu.memory_space<hbm>>
      %dma_start3A_36 = tpu.memref_slice %arg2[%add3A_4] : memref<81920xi32, #tpu.memory_space<hbm>> -> memref<512xi32, #tpu.memory_space<hbm>>
      tpu.enqueue_dma source(%dma_start3A_36 : memref<512xi32, #tpu.memory_space<hbm>>) target(%arg5 : memref<512xi32, #tpu.memory_space<vmem>>) target_semaphore(%run_scoped3A : memref<!tpu.dma_semaphore, #tpu.memory_space<semaphore_mem>>)
      %dma_wait3A_37 = tpu.memref_slice %arg2[%add3A_4] : memref<81920xi32, #tpu.memory_space<hbm>> -> memref<512xi32, #tpu.memory_space<hbm>>
      %dma_wait3A_38 = tpu.memref_slice %arg2[%add3A_4] : memref<81920xi32, #tpu.memory_space<hbm>> -> memref<512xi32, #tpu.memory_space<hbm>>
      tpu.wait_dma2 semaphore(%run_scoped3A : memref<!tpu.dma_semaphore, #tpu.memory_space<semaphore_mem>>) src(%dma_wait3A_38 : memref<512xi32, #tpu.memory_space<hbm>>) dst(%arg5 : memref<512xi32, #tpu.memory_space<vmem>>)
      tpu.yield
    }) : () -> ()
    %add3A_5 = arith.constant 16384 : i32
    %add3A_6 = arith.addi %add3A_5, %mul3A_2 : i32
    "tpu.region"() ({
      %run_scoped3A = tpu.sem_alloc : memref<!tpu.dma_semaphore, #tpu.memory_space<semaphore_mem>>
      %dma_start3A = tpu.memref_slice %arg2[%add3A_6] : memref<81920xi32, #tpu.memory_space<hbm>> -> memref<512xi32, #tpu.memory_space<hbm>>
      %dma_start3A_36 = tpu.memref_slice %arg2[%add3A_6] : memref<81920xi32, #tpu.memory_space<hbm>> -> memref<512xi32, #tpu.memory_space<hbm>>
      tpu.enqueue_dma source(%dma_start3A_36 : memref<512xi32, #tpu.memory_space<hbm>>) target(%arg6 : memref<512xi32, #tpu.memory_space<vmem>>) target_semaphore(%run_scoped3A : memref<!tpu.dma_semaphore, #tpu.memory_space<semaphore_mem>>)
      %dma_wait3A_37 = tpu.memref_slice %arg2[%add3A_6] : memref<81920xi32, #tpu.memory_space<hbm>> -> memref<512xi32, #tpu.memory_space<hbm>>
      %dma_wait3A_38 = tpu.memref_slice %arg2[%add3A_6] : memref<81920xi32, #tpu.memory_space<hbm>> -> memref<512xi32, #tpu.memory_space<hbm>>
      tpu.wait_dma2 semaphore(%run_scoped3A : memref<!tpu.dma_semaphore, #tpu.memory_space<semaphore_mem>>) src(%dma_wait3A_38 : memref<512xi32, #tpu.memory_space<hbm>>) dst(%arg6 : memref<512xi32, #tpu.memory_space<vmem>>)
      tpu.yield
    }) : () -> ()
    %add3A_7 = arith.constant 32768 : i32
    %add3A_8 = arith.addi %add3A_7, %mul3A_2 : i32
    "tpu.region"() ({
      %run_scoped3A = tpu.sem_alloc : memref<!tpu.dma_semaphore, #tpu.memory_space<semaphore_mem>>
      %dma_start3A = tpu.memref_slice %arg2[%add3A_8] : memref<81920xi32, #tpu.memory_space<hbm>> -> memref<512xi32, #tpu.memory_space<hbm>>
      %dma_start3A_36 = tpu.memref_slice %arg2[%add3A_8] : memref<81920xi32, #tpu.memory_space<hbm>> -> memref<512xi32, #tpu.memory_space<hbm>>
      tpu.enqueue_dma source(%dma_start3A_36 : memref<512xi32, #tpu.memory_space<hbm>>) target(%arg7 : memref<512xi32, #tpu.memory_space<vmem>>) target_semaphore(%run_scoped3A : memref<!tpu.dma_semaphore, #tpu.memory_space<semaphore_mem>>)
      %dma_wait3A_37 = tpu.memref_slice %arg2[%add3A_8] : memref<81920xi32, #tpu.memory_space<hbm>> -> memref<512xi32, #tpu.memory_space<hbm>>
      %dma_wait3A_38 = tpu.memref_slice %arg2[%add3A_8] : memref<81920xi32, #tpu.memory_space<hbm>> -> memref<512xi32, #tpu.memory_space<hbm>>
      tpu.wait_dma2 semaphore(%run_scoped3A : memref<!tpu.dma_semaphore, #tpu.memory_space<semaphore_mem>>) src(%dma_wait3A_38 : memref<512xi32, #tpu.memory_space<hbm>>) dst(%arg7 : memref<512xi32, #tpu.memory_space<vmem>>)
      tpu.yield
    }) : () -> ()
    %add3A_9 = arith.constant 49152 : i32
    %add3A_10 = arith.addi %add3A_9, %mul3A_2 : i32
    "tpu.region"() ({
      %run_scoped3A = tpu.sem_alloc : memref<!tpu.dma_semaphore, #tpu.memory_space<semaphore_mem>>
      %dma_start3A = tpu.memref_slice %arg2[%add3A_10] : memref<81920xi32, #tpu.memory_space<hbm>> -> memref<512xi32, #tpu.memory_space<hbm>>
      %dma_start3A_36 = tpu.memref_slice %arg2[%add3A_10] : memref<81920xi32, #tpu.memory_space<hbm>> -> memref<512xi32, #tpu.memory_space<hbm>>
      tpu.enqueue_dma source(%dma_start3A_36 : memref<512xi32, #tpu.memory_space<hbm>>) target(%arg8 : memref<512xi32, #tpu.memory_space<vmem>>) target_semaphore(%run_scoped3A : memref<!tpu.dma_semaphore, #tpu.memory_space<semaphore_mem>>)
      %dma_wait3A_37 = tpu.memref_slice %arg2[%add3A_10] : memref<81920xi32, #tpu.memory_space<hbm>> -> memref<512xi32, #tpu.memory_space<hbm>>
      %dma_wait3A_38 = tpu.memref_slice %arg2[%add3A_10] : memref<81920xi32, #tpu.memory_space<hbm>> -> memref<512xi32, #tpu.memory_space<hbm>>
      tpu.wait_dma2 semaphore(%run_scoped3A : memref<!tpu.dma_semaphore, #tpu.memory_space<semaphore_mem>>) src(%dma_wait3A_38 : memref<512xi32, #tpu.memory_space<hbm>>) dst(%arg8 : memref<512xi32, #tpu.memory_space<vmem>>)
      tpu.yield
    }) : () -> ()
    %add3A_11 = arith.constant 65536 : i32
    %add3A_12 = arith.addi %add3A_11, %mul3A_2 : i32
    "tpu.region"() ({
      %run_scoped3A = tpu.sem_alloc : memref<!tpu.dma_semaphore, #tpu.memory_space<semaphore_mem>>
      %dma_start3A = tpu.memref_slice %arg2[%add3A_12] : memref<81920xi32, #tpu.memory_space<hbm>> -> memref<512xi32, #tpu.memory_space<hbm>>
      %dma_start3A_36 = tpu.memref_slice %arg2[%add3A_12] : memref<81920xi32, #tpu.memory_space<hbm>> -> memref<512xi32, #tpu.memory_space<hbm>>
      tpu.enqueue_dma source(%dma_start3A_36 : memref<512xi32, #tpu.memory_space<hbm>>) target(%arg9 : memref<512xi32, #tpu.memory_space<vmem>>) target_semaphore(%run_scoped3A : memref<!tpu.dma_semaphore, #tpu.memory_space<semaphore_mem>>)
      %dma_wait3A_37 = tpu.memref_slice %arg2[%add3A_12] : memref<81920xi32, #tpu.memory_space<hbm>> -> memref<512xi32, #tpu.memory_space<hbm>>
      %dma_wait3A_38 = tpu.memref_slice %arg2[%add3A_12] : memref<81920xi32, #tpu.memory_space<hbm>> -> memref<512xi32, #tpu.memory_space<hbm>>
      tpu.wait_dma2 semaphore(%run_scoped3A : memref<!tpu.dma_semaphore, #tpu.memory_space<semaphore_mem>>) src(%dma_wait3A_38 : memref<512xi32, #tpu.memory_space<hbm>>) dst(%arg9 : memref<512xi32, #tpu.memory_space<vmem>>)
      tpu.yield
    }) : () -> ()
    %scan3A = arith.constant 0 : i32
    %scan3A_13 = arith.constant 0 : i32
    %scan3A_14 = arith.constant 32 : i32
    %scan3A_15 = arith.addi %scan3A_13, %scan3A_14 : i32
    %scan3A_16 = arith.constant 1 : i32
    %scan3A_17 = scf.for %scan3A_36 = %scan3A_13 to %scan3A_15 step %scan3A_16 iter_args(%scan3A_37 = %scan3A) -> (i32)  : i32 {
      %mul3A_38 = arith.constant 16 : i32
      %mul3A_39 = arith.muli %scan3A_36, %mul3A_38 : i32
      %get3A = arith.index_cast %mul3A_39 : i32 to index
      %get3A_40 = tpu.vector_load %arg6[%get3A] {strides = array<i32>} : memref<512xi32, #tpu.memory_space<vmem>>, vector<16xi32>,
      %get3A_41 = vector.shape_cast %get3A_40 : vector<16xi32> to vector<16xi32>
      %get3A_42 = arith.index_cast %mul3A_39 : i32 to index
      %get3A_43 = tpu.vector_load %arg7[%get3A_42] {strides = array<i32>} : memref<512xi32, #tpu.memory_space<vmem>>, vector<16xi32>,
      %get3A_44 = vector.shape_cast %get3A_43 : vector<16xi32> to vector<16xi32>
      %get3A_45 = arith.index_cast %mul3A_39 : i32 to index
      %get3A_46 = tpu.vector_load %arg8[%get3A_45] {strides = array<i32>} : memref<512xi32, #tpu.memory_space<vmem>>, vector<16xi32>,
      %get3A_47 = vector.shape_cast %get3A_46 : vector<16xi32> to vector<16xi32>
      %get3A_48 = arith.index_cast %mul3A_39 : i32 to index
      %get3A_49 = tpu.vector_load %arg9[%get3A_48] {strides = array<i32>} : memref<512xi32, #tpu.memory_space<vmem>>, vector<16xi32>,
      %get3A_50 = vector.shape_cast %get3A_49 : vector<16xi32> to vector<16xi32>
      %mul3A_51 = arith.constant 32 : i32
      %mul3A_52 = vector.broadcast %mul3A_51 : i32 to vector<16xi32>
      %mul3A_53 = arith.muli %get3A_41, %mul3A_52 : vector<16xi32>
      %add3A_54 = arith.addi %mul3A_53, %get3A_44 : vector<16xi32>
      %mul3A_55 = arith.constant 32 : i32
      %mul3A_56 = vector.broadcast %mul3A_55 : i32 to vector<16xi32>
      %mul3A_57 = arith.muli %add3A_54, %mul3A_56 : vector<16xi32>
      %add3A_58 = arith.addi %mul3A_57, %get3A_47 : vector<16xi32>
      %mul3A_59 = arith.constant 32 : i32
      %mul3A_60 = vector.broadcast %mul3A_59 : i32 to vector<16xi32>
      %mul3A_61 = arith.muli %add3A_58, %mul3A_60 : vector<16xi32>
      %add3A_62 = arith.addi %mul3A_61, %get3A_50 : vector<16xi32>
      %scan3A_63 = arith.constant 0 : i32
      %scan3A_64 = arith.constant 0 : i32
      %scan3A_65 = arith.constant 32 : i32
      %scan3A_66 = arith.addi %scan3A_64, %scan3A_65 : i32
      %scan3A_67 = arith.constant 1 : i32
      %scan3A_68 = scf.for %scan3A_85 = %scan3A_64 to %scan3A_66 step %scan3A_67 iter_args(%scan3A_86 = %scan3A_63) -> (i32)  : i32 {
        %mul3A_87 = arith.constant 1048576 : i32
        %mul3A_88 = arith.muli %scan3A_85, %mul3A_87 : i32
        %add3A_89 = vector.broadcast %mul3A_88 : i32 to vector<16xi32>
        %add3A_90 = arith.addi %add3A_62, %add3A_89 : vector<16xi32>
        %mul3A_91 = arith.constant 512 : i32
        %mul3A_92 = arith.muli %scan3A_85, %mul3A_91 : i32
        %mul3A_93 = arith.constant 16 : i32
        %mul3A_94 = arith.muli %scan3A_36, %mul3A_93 : i32
        %add3A_95 = arith.addi %mul3A_92, %mul3A_94 : i32
        %swap3A_96 = arith.index_cast %add3A_95 : i32 to index
        %swap3A_97 = tpu.vector_load %arg10[%swap3A_96] {strides = array<i32>} : memref<16896xi32, #tpu.memory_space<vmem>>, vector<16xi32>,
        %swap3A_98 = vector.shape_cast %swap3A_97 : vector<16xi32> to vector<16xi32>
        %swap3A_99 = vector.shape_cast %add3A_90 : vector<16xi32> to vector<16xi32>
        tpu.vector_store %arg10[%swap3A_96], %swap3A_99 {strides = array<i32>} : memref<16896xi32, #tpu.memory_space<vmem>>, vector<16xi32>,
        %scan3A_100 = arith.constant 0 : i32
        scf.yield %scan3A_100 : i32
      }
      %scan3A_69 = arith.constant 32 : i32
      %get3A_70 = arith.index_cast %mul3A_39 : i32 to index
      %get3A_71 = tpu.vector_load %arg5[%get3A_70] {strides = array<i32>} : memref<512xi32, #tpu.memory_space<vmem>>, vector<16xi32>,
      %get3A_72 = vector.shape_cast %get3A_71 : vector<16xi32> to vector<16xi32>
      %mul3A_73 = arith.constant 1048576 : i32
      %mul3A_74 = vector.broadcast %mul3A_73 : i32 to vector<16xi32>
      %mul3A_75 = arith.muli %get3A_72, %mul3A_74 : vector<16xi32>
      %add3A_76 = arith.addi %add3A_62, %mul3A_75 : vector<16xi32>
      %mul3A_77 = arith.constant 16 : i32
      %mul3A_78 = arith.muli %scan3A_36, %mul3A_77 : i32
      %add3A_79 = arith.constant 16384 : i32
      %add3A_80 = arith.addi %add3A_79, %mul3A_78 : i32
      %swap3A = arith.index_cast %add3A_80 : i32 to index
      %swap3A_81 = tpu.vector_load %arg10[%swap3A] {strides = array<i32>} : memref<16896xi32, #tpu.memory_space<vmem>>, vector<16xi32>,
      %swap3A_82 = vector.shape_cast %swap3A_81 : vector<16xi32> to vector<16xi32>
      %swap3A_83 = vector.shape_cast %add3A_76 : vector<16xi32> to vector<16xi32>
      tpu.vector_store %arg10[%swap3A], %swap3A_83 {strides = array<i32>} : memref<16896xi32, #tpu.memory_space<vmem>>, vector<16xi32>,
      %scan3A_84 = arith.constant 0 : i32
      scf.yield %scan3A_84 : i32
    }
    %scan3A_18 = arith.constant 32 : i32
    %scan3A_19 = arith.constant 0 : i32
    %scan3A_20 = arith.constant 0 : i32
    %scan3A_21 = arith.constant 132 : i32
    %scan3A_22 = arith.addi %scan3A_20, %scan3A_21 : i32
    %scan3A_23 = arith.constant 1 : i32
    %scan3A_24 = scf.for %scan3A_36 = %scan3A_20 to %scan3A_22 step %scan3A_23 iter_args(%scan3A_37 = %scan3A_19) -> (i32)  : i32 {
      %mul3A_38 = arith.constant 128 : i32
      %mul3A_39 = arith.muli %scan3A_36, %mul3A_38 : i32
      %mul3A_40 = arith.constant 128 : i32
      %mul3A_41 = arith.muli %scan3A_36, %mul3A_40 : i32
      %dma_start3A = tpu.memref_slice %arg11[%mul3A_41] : memref<16896xf32, #tpu.memory_space<vmem>> -> memref<128xf32, #tpu.memory_space<vmem>>
      %dma_start3A_42 = tpu.memref_slice %arg10[%mul3A_39] : memref<16896xi32, #tpu.memory_space<vmem>> -> memref<128xi32, #tpu.memory_space<vmem>>
      %dma_start3A_43 = arith.constant 0 : i32
      %dma_start3A_44 = tpu.memref_slice %arg3[%dma_start3A_43] : memref<33554432xf32, #tpu.memory_space<hbm>> -> memref<33554432xf32, #tpu.memory_space<hbm>>
      tpu.enqueue_indirect_dma source(%dma_start3A_44 : memref<33554432xf32, #tpu.memory_space<hbm>>) target(%dma_start3A : memref<128xf32, #tpu.memory_space<vmem>>) offsets(%dma_start3A_42 : memref<128xi32, #tpu.memory_space<vmem>>) semaphore(%arg13 : memref<!tpu.dma_semaphore, #tpu.memory_space<semaphore_mem>>)
      %scan3A_45 = arith.constant 0 : i32
      scf.yield %scan3A_45 : i32
    }
    %scan3A_25 = arith.constant 132 : i32
    %dma_wait3A = arith.constant 0 : i32
    %dma_wait3A_26 = tpu.memref_slice %arg3[%dma_wait3A] : memref<33554432xf32, #tpu.memory_space<hbm>> -> memref<16896xf32, #tpu.memory_space<hbm>>
    %dma_wait3A_27 = arith.constant 0 : i32
    %dma_wait3A_28 = tpu.memref_slice %arg3[%dma_wait3A_27] : memref<33554432xf32, #tpu.memory_space<hbm>> -> memref<16896xf32, #tpu.memory_space<hbm>>
    tpu.wait_dma2 semaphore(%arg13 : memref<!tpu.dma_semaphore, #tpu.memory_space<semaphore_mem>>) src(%dma_wait3A_28 : memref<16896xf32, #tpu.memory_space<hbm>>) dst(%arg11 : memref<16896xf32, #tpu.memory_space<vmem>>)
    %scan3A_29 = arith.constant 0 : i32
    %scan3A_30 = arith.constant 0 : i32
    %scan3A_31 = arith.constant 32 : i32
    %scan3A_32 = arith.addi %scan3A_30, %scan3A_31 : i32
    %scan3A_33 = arith.constant 1 : i32
    %scan3A_34 = scf.for %scan3A_36 = %scan3A_30 to %scan3A_32 step %scan3A_33 iter_args(%scan3A_37 = %scan3A_29) -> (i32)  : i32 {
      %mul3A_38 = arith.constant 16 : i32
      %mul3A_39 = arith.muli %scan3A_36, %mul3A_38 : i32
      %get3A = arith.index_cast %mul3A_39 : i32 to index
      %get3A_40 = tpu.vector_load %arg11[%get3A] {strides = array<i32>} : memref<16896xf32, #tpu.memory_space<vmem>>, vector<16xf32>,
      %get3A_41 = vector.shape_cast %get3A_40 : vector<16xf32> to vector<16xf32>
      %scan3A_42 = arith.constant 1 : i32
      %scan3A_43 = arith.constant 31 : i32
      %scan3A_44 = arith.addi %scan3A_42, %scan3A_43 : i32
      %scan3A_45 = arith.constant 1 : i32
      %scan3A_46 = scf.for %scan3A_117 = %scan3A_42 to %scan3A_44 step %scan3A_45 iter_args(%scan3A_118 = %get3A_41) -> (vector<16xf32>)  : i32 {
        %mul3A_119 = arith.constant 512 : i32
        %mul3A_120 = arith.muli %scan3A_117, %mul3A_119 : i32
        %add3A_121 = arith.addi %mul3A_120, %mul3A_39 : i32
        %get3A_122 = arith.index_cast %add3A_121 : i32 to index
        %get3A_123 = tpu.vector_load %arg11[%get3A_122] {strides = array<i32>} : memref<16896xf32, #tpu.memory_space<vmem>>, vector<16xf32>,
        %get3A_124 = vector.shape_cast %get3A_123 : vector<16xf32> to vector<16xf32>
        %max3A = arith.maximumf %scan3A_118, %get3A_124 : vector<16xf32>
        scf.yield %max3A : vector<16xf32>
      }
      %scan3A_47 = arith.constant 31 : i32
      %broadcast_in_dim3A = arith.constant 0.000000e+00 : f32
      %broadcast_in_dim3A_48 = vector.broadcast %broadcast_in_dim3A : f32 to vector<16xf32>
      %scan3A_49 = arith.constant 0 : i32
      %scan3A_50 = arith.constant 32 : i32
      %scan3A_51 = arith.addi %scan3A_49, %scan3A_50 : i32
      %scan3A_52 = arith.constant 1 : i32
      %scan3A_53 = scf.for %scan3A_117 = %scan3A_49 to %scan3A_51 step %scan3A_52 iter_args(%scan3A_118 = %broadcast_in_dim3A_48) -> (vector<16xf32>)  : i32 {
        %mul3A_119 = arith.constant 512 : i32
        %mul3A_120 = arith.muli %scan3A_117, %mul3A_119 : i32
        %add3A_121 = arith.addi %mul3A_120, %mul3A_39 : i32
        %get3A_122 = arith.index_cast %add3A_121 : i32 to index
        %get3A_123 = tpu.vector_load %arg11[%get3A_122] {strides = array<i32>} : memref<16896xf32, #tpu.memory_space<vmem>>, vector<16xf32>,
        %get3A_124 = vector.shape_cast %get3A_123 : vector<16xf32> to vector<16xf32>
        %sub3A_125 = arith.subf %get3A_124, %scan3A_46 : vector<16xf32>
        %exp3A = math.exp %sub3A_125 : vector<16xf32>
        %add3A_126 = arith.addf %scan3A_118, %exp3A : vector<16xf32>
        scf.yield %add3A_126 : vector<16xf32>
      }
      %scan3A_54 = arith.constant 32 : i32
      %bitcast_convert_type3A = tpu.bitcast %scan3A_53 : vector<16xf32> -> vector<16xi32>
      %shift_right_logical3A = arith.constant 23 : i32
      %shift_right_logical3A_55 = vector.broadcast %shift_right_logical3A : i32 to vector<16xi32>
      %shift_right_logical3A_56 = arith.shrui %bitcast_convert_type3A, %shift_right_logical3A_55 : vector<16xi32>
      %sub3A = arith.constant 127 : i32
      %sub3A_57 = vector.broadcast %sub3A : i32 to vector<16xi32>
      %sub3A_58 = arith.subi %shift_right_logical3A_56, %sub3A_57 : vector<16xi32>
      %and3A = arith.constant 8388607 : i32
      %and3A_59 = vector.broadcast %and3A : i32 to vector<16xi32>
      %and3A_60 = arith.andi %bitcast_convert_type3A, %and3A_59 : vector<16xi32>
      %or3A = arith.constant 1065353216 : i32
      %or3A_61 = vector.broadcast %or3A : i32 to vector<16xi32>
      %or3A_62 = arith.ori %and3A_60, %or3A_61 : vector<16xi32>
      %bitcast_convert_type3A_63 = tpu.bitcast %or3A_62 : vector<16xi32> -> vector<16xf32>
      %gt3A = arith.constant 1.41421354 : f32
      %gt3A_64 = vector.broadcast %gt3A : f32 to vector<16xf32>
      %gt3A_65 = arith.cmpf ogt, %bitcast_convert_type3A_63, %gt3A_64 : vector<16xf32>
      %mul3A_66 = arith.constant 5.000000e-01 : f32
      %mul3A_67 = vector.broadcast %mul3A_66 : f32 to vector<16xf32>
      %mul3A_68 = arith.mulf %bitcast_convert_type3A_63, %mul3A_67 : vector<16xf32>
      %select_n3A = arith.select %gt3A_65, %mul3A_68, %bitcast_convert_type3A_63 : vector<16xi1>, vector<16xf32>
      %add3A_69 = arith.constant 1 : i32
      %add3A_70 = vector.broadcast %add3A_69 : i32 to vector<16xi32>
      %add3A_71 = arith.addi %sub3A_58, %add3A_70 : vector<16xi32>
      %select_n3A_72 = arith.select %gt3A_65, %add3A_71, %sub3A_58 : vector<16xi1>, vector<16xi32>
      %sub3A_73 = arith.constant 1.000000e+00 : f32
      %sub3A_74 = vector.broadcast %sub3A_73 : f32 to vector<16xf32>
      %sub3A_75 = arith.subf %select_n3A, %sub3A_74 : vector<16xf32>
      %add3A_76 = arith.constant 1.000000e+00 : f32
      %add3A_77 = vector.broadcast %add3A_76 : f32 to vector<16xf32>
      %add3A_78 = arith.addf %select_n3A, %add3A_77 : vector<16xf32>
      %div3A = arith.divf %sub3A_75, %add3A_78 : vector<16xf32>
      %mul3A_79 = arith.mulf %div3A, %div3A : vector<16xf32>
      %mul3A_80 = arith.constant 0.111111112 : f32
      %mul3A_81 = vector.broadcast %mul3A_80 : f32 to vector<16xf32>
      %mul3A_82 = arith.mulf %mul3A_79, %mul3A_81 : vector<16xf32>
      %add3A_83 = arith.constant 0.142857149 : f32
      %add3A_84 = vector.broadcast %add3A_83 : f32 to vector<16xf32>
      %add3A_85 = arith.addf %add3A_84, %mul3A_82 : vector<16xf32>
      %mul3A_86 = arith.mulf %mul3A_79, %add3A_85 : vector<16xf32>
      %add3A_87 = arith.constant 2.000000e-01 : f32
      %add3A_88 = vector.broadcast %add3A_87 : f32 to vector<16xf32>
      %add3A_89 = arith.addf %add3A_88, %mul3A_86 : vector<16xf32>
      %mul3A_90 = arith.mulf %mul3A_79, %add3A_89 : vector<16xf32>
      %add3A_91 = arith.constant 0.333333343 : f32
      %add3A_92 = vector.broadcast %add3A_91 : f32 to vector<16xf32>
      %add3A_93 = arith.addf %add3A_92, %mul3A_90 : vector<16xf32>
      %mul3A_94 = arith.mulf %mul3A_79, %add3A_93 : vector<16xf32>
      %add3A_95 = arith.constant 1.000000e+00 : f32
      %add3A_96 = vector.broadcast %add3A_95 : f32 to vector<16xf32>
      %add3A_97 = arith.addf %add3A_96, %mul3A_94 : vector<16xf32>
      %mul3A_98 = arith.constant 2.000000e+00 : f32
      %mul3A_99 = vector.broadcast %mul3A_98 : f32 to vector<16xf32>
      %mul3A_100 = arith.mulf %mul3A_99, %div3A : vector<16xf32>
      %mul3A_101 = arith.mulf %mul3A_100, %add3A_97 : vector<16xf32>
      %convert_element_type3A = arith.sitofp %select_n3A_72 : vector<16xi32> to vector<16xf32>
      %mul3A_102 = arith.constant 0.693147182 : f32
      %mul3A_103 = vector.broadcast %mul3A_102 : f32 to vector<16xf32>
      %mul3A_104 = arith.mulf %convert_element_type3A, %mul3A_103 : vector<16xf32>
      %add3A_105 = arith.addf %mul3A_101, %mul3A_104 : vector<16xf32>
      %add3A_106 = arith.addf %scan3A_46, %add3A_105 : vector<16xf32>
      %add3A_107 = arith.constant 16384 : i32
      %add3A_108 = arith.addi %add3A_107, %mul3A_39 : i32
      %get3A_109 = arith.index_cast %add3A_108 : i32 to index
      %get3A_110 = tpu.vector_load %arg11[%get3A_109] {strides = array<i32>} : memref<16896xf32, #tpu.memory_space<vmem>>, vector<16xf32>,
      %get3A_111 = vector.shape_cast %get3A_110 : vector<16xf32> to vector<16xf32>
      %sub3A_112 = arith.subf %get3A_111, %add3A_106 : vector<16xf32>
      %swap3A = arith.index_cast %mul3A_39 : i32 to index
      %swap3A_113 = tpu.vector_load %arg12[%swap3A] {strides = array<i32>} : memref<512xf32, #tpu.memory_space<vmem>>, vector<16xf32>,
      %swap3A_114 = vector.shape_cast %swap3A_113 : vector<16xf32> to vector<16xf32>
      %swap3A_115 = vector.shape_cast %sub3A_112 : vector<16xf32> to vector<16xf32>
      tpu.vector_store %arg12[%swap3A], %swap3A_115 {strides = array<i32>} : memref<512xf32, #tpu.memory_space<vmem>>, vector<16xf32>,
      %scan3A_116 = arith.constant 0 : i32
      scf.yield %scan3A_116 : i32
    }
    %scan3A_35 = arith.constant 32 : i32
    "tpu.region"() ({
      %run_scoped3A = tpu.sem_alloc : memref<!tpu.dma_semaphore, #tpu.memory_space<semaphore_mem>>
      %dma_start3A = tpu.memref_slice %arg4[%mul3A_2] : memref<16384xf32, #tpu.memory_space<hbm>> -> memref<512xf32, #tpu.memory_space<hbm>>
      %dma_start3A_36 = tpu.memref_slice %arg4[%mul3A_2] : memref<16384xf32, #tpu.memory_space<hbm>> -> memref<512xf32, #tpu.memory_space<hbm>>
      tpu.enqueue_dma source(%arg12 : memref<512xf32, #tpu.memory_space<vmem>>) target(%dma_start3A_36 : memref<512xf32, #tpu.memory_space<hbm>>) target_semaphore(%run_scoped3A : memref<!tpu.dma_semaphore, #tpu.memory_space<semaphore_mem>>)
      %dma_wait3A_37 = tpu.memref_slice %arg4[%mul3A_2] : memref<16384xf32, #tpu.memory_space<hbm>> -> memref<512xf32, #tpu.memory_space<hbm>>
      %dma_wait3A_38 = tpu.memref_slice %arg4[%mul3A_2] : memref<16384xf32, #tpu.memory_space<hbm>> -> memref<512xf32, #tpu.memory_space<hbm>>
      tpu.wait_dma2 semaphore(%run_scoped3A : memref<!tpu.dma_semaphore, #tpu.memory_space<semaphore_mem>>) src(%arg12 : memref<512xf32, #tpu.memory_space<vmem>>) dst(%dma_wait3A_38 : memref<512xf32, #tpu.memory_space<hbm>>)
      tpu.yield
    }) : () -> ()
    return
  }
}

</mosaic_0001>

<sc_bundles>
// kernel: kernel.3.cloned.1.call-start
scs
__scs_entry_jumppad:
0x0: {  	(pc) =	sbr.rel $0x88, $3  }
0x1: {  	(tag) =	ssettag $0x0;
	lr =	simm.s32 $0x1  }
0x2: {  	[smem:$0x3F9F] =	sst lr;
	_ =	strace $0xD0000000  }
0x3: {  	_ = 	snop  }
0x4: {  	_ = 	snop  }
0x5: {  	_ = 	snop  }
0x6: {  	_ = 	snop  }
0x7: {  	_ = 	snop  }
__scs_overlays_trampoline_lowered:
0x8: {  	[smem:$0x3FAE] =	sst s0  }
0x9: {  	[smem:$0x3FAF] =	sst s1  }
0xa: {  	[smem:$0x3FB0] =	sst s2  }
0xb: {  	[smem:$0x3FB1] =	sst s3  }
0xc: {  	[smem:$0x3FB2] =	sst s4  }
0xd: {  	[smem:$0x3FB3] =	sst s5  }
0xe: {  	[smem:$0x3FB4] =	sst s6  }
0xf: {  	[smem:$0x3FB5] =	sst s7  }
0x10: {  	[smem:$0x3FB6] =	sst s8  }
0x11: {  	[smem:$0x3FB7] =	sst s9;
	s0 =	simm.s32 @!p0 $0x0  }
0x12: {  	s1 =	sld [smem:$0x3F9D];
	s0 =	simm.s32 @p0 $0x1  }
0x13: {  	[smem:$0x3FB8] =	sst s0;
	s0 =	simm.s32 @!p1 $0x0  }
0x14: {  	s2 =	sld [smem:$0x3F9C];
	s0 =	simm.s32 @p1 $0x1  }
0x15: {  	[smem:$0x3FB9] =	sst s0;
	s0 =	simm.s32 @!p2 $0x0  }
0x16: {  	s3 =	sld [smem:$0x3FDB];
	s0 =	simm.s32 @p2 $0x1  }
0x17: {  	s4 =	simm.s32 $0x1BF5;
	[smem:$0x3FBB] =	sst s0  }
0x18: {  	s0 =	sld [smem:$0x3F9E];
	_ =	swait.ge [sflag:s4], $0x0  }
0x19: {  	s7 =	sld [smem:$0x3F9F]  }
0x1a: {  	s8 =	sadd.s32 $0xFFFFE003, lr  }
0x1b: {  	s9 =	sadd.s32 $0xFFFFFEF7, lr;
	s5 =	simm.s32 $0xFFFFFFFF;
	p2 =	slt.u32 s8, $0xFFFFF086  }
0x1c: {  	p1 =	slt.u32 s9, $0xF7A;
	s5 =	simm.s32 @!p2 $0x0  }
0x1d: {  	s5 =	simm.s32 @p1 $0x1;
	p0 =	seq.s32 s7, s2  }
0x1e: {  	s7 =	smul.u32 @!p0 $0xF7A, s2;
	p2 =	seq.s32 @!p0 s5, $0x0  }
0x1f: {  	s9 =	smul.u32 $0xF7A, s1;
	s8 =	simm.s32 @!p0 $0x1BF5;
	p2 =	por !p2, p0  }
0x20: {  	[sflag:s8] =	ssyncset.s32 @!p0 $0xFFFFF086;
	s6 =	sadd.s32 @!p0 s3, s7;
	s7 =	simm.s32 @!p0 $0x108  }
0x21: {  	s3 =	sadd.s32 s3, s9;
	s6 =	sadd.s32 @!p0 $0x88, s6;
	s7 =	simm.s32 @p2 $0x1082  }
0x22: {  	[simem:s7], [sflag:s8] =	dma.local @!p0 [hbm:s6], $0xF7A  }
0x23: {  	s9 =	sor.u32 $0xD0000000, s2;
	s6 =	simm.s32 $0x108;
	_ =	swait.ge @!p0 [sflag:s8], $0x0  }
0x24: {  	s3 =	sadd.s32 $0x88, s3;
	s6 =	simm.s32 @!p1 $0x1082;
	[sflag:s4] =	ssyncset.s32 $0xFFFFF086  }
0x25: {  	[simem:s6], [sflag:s4] =	dma.local [hbm:s3], $0xF7A  }
0x26: {  	[smem:$0x3F9F] =	sst s1;
	(tag) =	ssettag s2;
	_ =	strace s9  }
0x27: {  	s1 =	sld [smem:$0x3FAF]  }
0x28: {  	s2 =	sld [smem:$0x3FB0]  }
0x29: {  	s4 =	sld [smem:$0x3FB2]  }
0x2a: {  	p0 =	seq.s32 s5, $0x0;
	s5 =	sld [smem:$0x3FB3]  }
0x2b: {  	s6 =	sld [smem:$0x3FB4]  }
0x2c: {  	s7 =	sld [smem:$0x3FB5]  }
0x2d: {  	s3 =	simm.s32 $0x108;
	s8 =	sld [smem:$0x3FB6]  }
0x2e: {  	s3 =	simm.s32 @!p0 $0x1082;
	s9 =	sld [smem:$0x3FB7]  }
0x2f: {  	lr =	sadd.s32 s0, s3;
	s0 =	sld [smem:$0x3FAE]  }
0x30: {  	s3 =	sld [smem:$0x3FB1]  }
0x31: {  	[smem:$0x3FBA] =	sst s10  }
0x32: {  	s10 =	sld [smem:$0x3FB8];
	_ =	sdelay $0x3  }
0x33: {  	p0 =	seq.s32 s10, $0x1;
	s10 =	sld [smem:$0x3FBA];
	_ =	sdelay $0x3  }
0x34: {  	[smem:$0x3FBA] =	sst s10  }
0x35: {  	s10 =	sld [smem:$0x3FB9];
	_ =	sdelay $0x3  }
0x36: {  	p1 =	seq.s32 s10, $0x1;
	s10 =	sld [smem:$0x3FBA];
	_ =	sdelay $0x3  }
0x37: {  	[smem:$0x3FBA] =	sst s10  }
0x38: {  	s10 =	sld [smem:$0x3FBB]  }
0x39: {  	_ = 	snop;
	(pc) =	sbr.ind lr, $3  }
0x3a: {  	_ = 	snop  }
0x3b: {  	_ = 	snop  }
0x3c: {  	p2 =	seq.s32 s10, $0x1;
	s10 =	sld [smem:$0x3FBA]  }
0x3d: {  	_ =	shalt  }
0x3e: {  	_ =	shalt  }
0x3f: {  	_ =	shalt  }
0x40: {  	_ =	shalt  }
0x41: {  	_ =	shalt  }
0x42: {  	_ =	shalt  }
0x43: {  	_ =	shalt  }
0x44: {  	_ =	shalt  }
0x45: {  	_ =	shalt  }
0x46: {  	_ =	shalt  }
0x47: {  	_ =	shalt  }
0x48: {  	_ =	shalt  }
0x49: {  	_ =	shalt  }
0x4a: {  	_ =	shalt  }
0x4b: {  	_ =	shalt  }
0x4c: {  	_ =	shalt  }
0x4d: {  	_ =	shalt  }
0x4e: {  	_ =	shalt  }
0x4f: {  	_ =	shalt  }
0x50: {  	_ =	shalt  }
0x51: {  	_ =	shalt  }
0x52: {  	_ =	shalt  }
0x53: {  	_ =	shalt  }
0x54: {  	_ =	shalt  }
0x55: {  	_ =	shalt  }
0x56: {  	_ =	shalt  }
0x57: {  	_ =	shalt  }
0x58: {  	_ =	shalt  }
0x59: {  	_ =	shalt  }
0x5a: {  	_ =	shalt  }
0x5b: {  	_ =	shalt  }
0x5c: {  	_ =	shalt  }
0x5d: {  	_ =	shalt  }
0x5e: {  	_ =	shalt  }
0x5f: {  	_ =	shalt  }
0x60: {  	_ =	shalt  }
0x61: {  	_ =	shalt  }
0x62: {  	_ =	shalt  }
0x63: {  	_ =	shalt  }
0x64: {  	_ =	shalt  }
0x65: {  	_ =	shalt  }
0x66: {  	_ =	shalt  }
0x67: {  	_ =	shalt  }
0x68: {  	_ =	shalt  }
0x69: {  	_ =	shalt  }
0x6a: {  	_ =	shalt  }
0x6b: {  	_ =	shalt  }
0x6c: {  	_ =	shalt  }
0x6d: {  	_ =	shalt  }
0x6e: {  	_ =	shalt  }
0x6f: {  	_ =	shalt  }
0x70: {  	_ =	shalt  }
0x71: {  	_ =	shalt  }
0x72: {  	_ =	shalt  }
0x73: {  	_ =	shalt  }
0x74: {  	_ =	shalt  }
0x75: {  	_ =	shalt  }
0x76: {  	_ =	shalt  }
0x77: {  	_ =	shalt  }
0x78: {  	_ =	shalt  }
0x79: {  	_ =	shalt  }
0x7a: {  	_ =	shalt  }
0x7b: {  	_ =	shalt  }
0x7c: {  	_ =	shalt  }
0x7d: {  	_ =	shalt  }
0x7e: {  	_ =	shalt  }
0x7f: {  	_ =	shalt  }
0x80: {  	_ =	shalt  }
0x81: {  	_ =	shalt  }
0x82: {  	_ =	shalt  }
0x83: {  	_ =	shalt  }
0x84: {  	_ =	shalt  }
0x85: {  	_ =	shalt  }
0x86: {  	_ =	shalt  }
0x87: {  	_ =	shalt  }
.Lfunc_end0:
.L_simem_size_0:
called_computation_lowered:
.L_overlay_start_0:
0x88: {  	s2 =	sld [smem:$0x3FD9]  }
0x89: {  	s3 =	sld [smem:$0x3FFE];
	_ =	sdelay $0x1  }
0x8a: {  	s1 =	srdreg.scid  }
0x8b: {  	s0 =	sand.u32 $0x1, s1  }
0x8c: {  	s17 =	sshll.u32 s0, $0xA;
	s2 =	sadd.s32 s3, s2  }
0x8d: {  	s2 =	sadd.s32 s2, s17  }
0x8e: {  	[smem:$0x3FC6] =	sst s2  }
0x8f: {  	_ = 	snop  }
0x90: {  	s2 =	sld [smem:$0x3FD0];
	(tm) =	ssettm $0x1  }
0x91: {  	s18 =	sld [smem:$0x3FFB];
	_ =	sdelay $0x3  }
0x92: {  	_ =	strace s18  }
0x93: {  	s3 =	sld [smem:$0x3FFC];
	_ =	sdelay $0x3  }
0x94: {  	_ =	strace s3  }
0x95: {  	s3 =	sld [smem:$0x3FFD];
	_ =	sdelay $0x3  }
0x96: {  	_ =	strace s3  }
0x97: {  	_ =	strace $0x8FFFFFFF  }
0x98: {  	s19 =	sld [smem:$0x3FDB];
	_ =	sdelay $0x1  }
0x99: {  	s4 =	simm.s32 $_scs_section_size  }
0x9a: {  	s5 =	simm.s32 $_size__tile_overlayer_lowered;
	s6 =	simm.s32 $_tile_overlayer_lowered  }
0x9b: {  	s22 =	simm.s32 $0x1BFF;
	s21 =	sshll.u32 s6, $0x1;
	s3 =	sadd.s32 s4, s19  }
0x9c: {  	s7 =	simm.s32 $0x0;
	s20 =	sshll.u32 s5, $0x1;
	s5 =	sadd.s32 s21, s3  }
0x9d: {  	[timem:s7], [sflag:s22] =	dma.local [hbm:s5], s20  }
0x9e: {  	_ =	swait.ge [sflag:s22], s20  }
0x9f: {  	s4 =	ssub.s32 $0x0, s20;
	[sflag:s22] =	ssyncset.done $0x0  }
0xa0: {  	[sflag:s22] =	ssyncadd.s32 s4;
	_ =	sdelay $0x1  }
0xa1: {  	s23 =	simm.s32 $0x1B8B  }
0xa2: {  	_ =	swait.ge [sflag:s23], $0x1  }
0xa3: {  	[sflag:s23] =	ssyncset.done $0x0  }
0xa4: {  	s25 =	simm.s32 $0x1B8E;
	s24 =	sld [smem:$0x3FFE];
	[sflag:s23] =	ssyncadd.s32 $0xFFFFFFFF  }
0xa5: {  	s26 =	simm.s32 $execute0_lowered;
	[smem:$0x3FD2] =	sst s25  }
0xa6: {  	s5 =	sshll.u32 s26, $0x1;
	_ =	strace $0x80000046;
	[dreg:$0x1] =	wrdreg $0xFFFFFFFF  }
0xa7: {  	s28 =	simm.s32 $_size_execute0_lowered;
	s3 =	sadd.s32 s3, s5;
	[dreg:$0x0] =	wrdreg $0x0  }
0xa8: {  	s5 =	sshll.u32 s28, $0x1;
	[dreg:$0x2] =	wrdreg s3  }
0xa9: {  	[dreg:$0x3] =	wrdreg s5  }
0xaa: {  	[dreg:$0x4] =	wrdreg $0xC0  }
0xab: {  	_ =	task [dreg:s7], $0x5FFFF  }
0xac: {  	[dreg:$0x1] =	wrdreg $0xFFFFFFFF  }
0xad: {  	[dreg:$0x0] =	wrdreg $0x60  }
0xae: {  	[dreg:$0x2] =	wrdreg s24  }
0xaf: {  	[dreg:$0x3] =	wrdreg s2  }
0xb0: {  	[dreg:$0x4] =	wrdreg $0x9  }
0xb1: {  	_ =	task.clear_ibuf [dreg:s7], $0x5FFFF;
	_ =	strace $0x90000046  }
0xb2: {  	s29 =	simm.s32 $0x9;
	_ =	strace $0x80000048  }
0xb3: {  	_ =	swait.ge [sflag:s29], $0x1  }
0xb4: {  	[sflag:s29] =	ssyncadd.s32 $0xFFFFFFFF  }
0xb5: {  	_ =	strace $0x90000048  }
0xb6: {  	_ =	sfence  }
0xb7: {  	s30 =	sld [smem:$0x0];
	_ =	sdelay $0x2  }
0xb8: {  	s31 =	sshll.u32 s1, $0xD;
	s1 =	sshrl.u32 s1, $0x2  }
0xb9: {  	s3 =	sand.u32 $0x4000, s31;
	s1 =	sadd.s32 s1, s30  }
0xba: {  	s0 =	sor.u32 s3, s0;
	s1 =	sshll.u32 s1, $0x11  }
0xbb: {  	s0 =	sor.u32 s1, s0  }
0xbc: {  	s0 =	sadd.s32 $0x8F2B, s0  }
0xbd: {  	[sflag:s0] =	ssyncadd.remote.s32 $0x1  }
0xbe: {  	_ =	sfence.sel $0xFFFF  }
0xbf: {  	[dreg:$0x0] =	wrdreg $0xFFFFFFFF;
	(pc) =	sbr.abs _section_cstart, $3  }
0xc0: {  	[dreg:$0x1] =	wrdreg $0xFFFFFFFF  }
0xc1: {  	_ =	task.clear_ibuf [dreg:s7], $0x2FFFF;
	_ =	strace $0x9FFFFFFF  }
0xc2: {  	(tm) =	ssettm $0x7FFFFFFF  }
0xc3: {  	_ =	shalt  }
tec
execute0_lowered:
.L_overlay_start_1:
0x0: {  	(tag) =	ssettag $0x1  }
0x1: {  	s3 =	rddreg [dreg:$0x0]  }
0x2: {  	s9 =	rddreg [dreg:$0x1];
	s2 =	srdreg.scid  }
0x3: {  	s0 =	rddreg [dreg:$0x2];
	s1 =	stileid.u32;
	s12 =	simm.s32 $0x200  }
0x4: {  	s13 =	simm.s32 $0x400;
	s14 =	simm.s32 $0x600;
	s15 =	simm.s32 $0x800  }
0x5: {  	s16 =	simm.s32 $0x80;
	s17 =	simm.s32 $0x1;
	s18 =	simm.s32 $0x8E00  }
0x6: {  	s19 =	simm.s32 $0x0;
	s4 =	sand.u32 $0x1, s2;
	s2 =	simm.s32 $0x0  }
0x7: {  	s5 =	sshll.u32 s1, $0x7;
	s6 =	sshll.u32 s4, $0x6;
	[smem:$0x7FF] =	sst s2  }
0x8: {  	s4 =	ssub.s32 $0x2, s4;
	s10 =	sor.u32 s6, s5;
	_ =	strace $0x80000047  }
0x9: {  	s31 =	sshrl.u32 s4, $0x1;
	s8 =	sadd.s32 s10, s3;
	s3 =	sadd.s32 $0x2C00, s3  }
0xa: {  	s11 =	ssub.s32 s4, s31;
	s9 =	sadd.s32 s9, s10;
	s4 =	sadd.s32 $0x400, s8  }
0xb: {  	s5 =	sadd.s32 $0xC00, s8;
	s6 =	sadd.s32 $0x1400, s8;
	s7 =	sadd.s32 $0x1C00, s8  }
0xc: {  	v0 =	vimm.s32 $0xFFFFFF81;
	s8 =	sadd.s32 $0x2400, s8;
	s10 =	smax.u32 s11, $0x1;
	s11 =	simm.s32 $0x2  }
.LBB2_1:
0xd: {  	[tilespmem:s2], [sflag:$0x2] =	stream.linear.gather [hbm4b:s4+s2], $0x200, $0x38;
	[tilespmem:$0x9000] =	vst v63  }
0xe: {  	_ =	swait.ge [sflag:s11], $0x200  }
0xf: {  	[sflag:s11] =	ssyncset.done $0x0  }
0x10: {  	[sflag:s11] =	ssyncadd.s32 $0xFFFFFE00  }
0x11: {  	[tilespmem:s12], [sflag:$0x2] =	stream.linear.gather [hbm4b:s5+s2], $0x200, $0x38;
	[tilespmem:$0x9000] =	vst v63  }
0x12: {  	_ =	swait.ge [sflag:s11], $0x200  }
0x13: {  	[sflag:s11] =	ssyncset.done $0x0  }
0x14: {  	[sflag:s11] =	ssyncadd.s32 $0xFFFFFE00  }
0x15: {  	[tilespmem:s13], [sflag:$0x2] =	stream.linear.gather [hbm4b:s6+s2], $0x200, $0x38;
	[tilespmem:$0x9000] =	vst v63  }
0x16: {  	_ =	swait.ge [sflag:s11], $0x200  }
0x17: {  	[sflag:s11] =	ssyncset.done $0x0  }
0x18: {  	[sflag:s11] =	ssyncadd.s32 $0xFFFFFE00  }
0x19: {  	[tilespmem:s14], [sflag:$0x2] =	stream.linear.gather [hbm4b:s7+s2], $0x200, $0x38;
	[tilespmem:$0x9000] =	vst v63  }
0x1a: {  	_ =	swait.ge [sflag:s11], $0x200  }
0x1b: {  	[sflag:s11] =	ssyncset.done $0x0  }
0x1c: {  	[sflag:s11] =	ssyncadd.s32 $0xFFFFFE00  }
0x1d: {  	[tilespmem:s15], [sflag:$0x2] =	stream.linear.gather [hbm4b:s8+s2], $0x200, $0x38;
	[tilespmem:$0x9000] =	vst v63  }
0x1e: {  	_ =	swait.ge [sflag:s11], $0x200  }
0x1f: {  	s20 =	simm.s32 $0x0;
	[sflag:s11] =	ssyncset.done $0x0  }
0x20: {  	s21 =	simm.s32 $0x0;
	s22 =	simm.s32 $0x0;
	[sflag:s11] =	ssyncadd.s32 $0xFFFFFE00  }
.LBB2_2:
0x21: {  	s23 =	sshll.u32 s22, $0x4  }
0x22: {  	v1 =	vld [tilespmem:s23+$0x200]  }
0x23: {  	v2 =	vld [tilespmem:s23+$0x400];
	_ =	sdelay $0x1  }
0x24: {  	v3 =	vld [tilespmem:s23+$0x600];
	_ =	sdelay $0x1  }
0x25: {  	v4 =	vld [tilespmem:s23+$0x800]  }
0x26: {  	v1 =	vshll.u32 v1, $0xA;
	v2 =	vshll.u32 v2, $0x5  }
0x27: {  	s24 =	sshll.u32 s21, $0x2;
	s25 =	sand.u32 $0x7, s20;
	v1 =	vadd.s32 v1, v2  }
0x28: {  	s24 =	sand.u32 $0xFFFFFE00, s24;
	s25 =	sshll.u32 s25, $0x6;
	v1 =	vadd.s32 v3, v1  }
0x29: {  	s24 =	sor.u32 s25, s24;
	v1 =	vshll.u32 v1, $0x5  }
0x2a: {  	s31 =	simm.s32 $0x0;
	s24 =	sshrl.u32 s24, $0x2;
	v1 =	vadd.s32 v4, v1  }
0x2b: {  	s26 =	sadd.s32 $0xA00, s24;
	v2 =	vadd.s32 s31, v1  }
0x2c: {  	s28 =	simm.s32 $0x100000;
	s25 =	sand.u32 $0x70, s23;
	s24 =	sand.u32 $0x180, s23;
	[tilespmem:s26+$0x0] =	vst v2  }
.LBB2_3:
0x2d: {  	p0 =	sne.s32 s28, $0x1F00000  }
.Ltmp0:
0x2e: {  	_ = 	snop;
	(pc) =	sbr.rel @p0 .LBB2_3-.Ltmp0, $3  }
0x2f: {  	_ =	sdelay $0x1  }
0x30: {  	v2 =	vadd.s32 s28, v1;
	s28 =	sadd.s32 $0x100000, s28;
	s26 =	sadd.s32 $0x200, s26  }
0x31: {  	[tilespmem:s26+$0x0] =	vst v2  }
0x32: {  	v2 =	vld [tilespmem:s23+$0x0]  }
0x33: {  	s22 =	sadd.s32 $0x1, s22  }
0x34: {  	p0 =	sne.s32 s22, $0x20  }
.Ltmp1:
0x35: {  	_ = 	snop;
	(pc) =	sbr.rel @p0 .LBB2_2-.Ltmp1, $4  }
0x36: {  	_ = 	snop  }
0x37: {  	v2 =	vshll.u32 v2, $0x14  }
0x38: {  	s31 =	sadd.s32 s25, s24;
	v1 =	vadd.s32 v1, v2  }
0x39: {  	s21 =	sadd.s32 $0x10, s21;
	s20 =	sadd.s32 $0x1, s20;
	[tilespmem:s31+$0x4A00] =	vst v1  }
0x3a: {  	s20 =	simm.s32 $0x200;
	s21 =	simm.s32 $0x4C00;
	s22 =	simm.s32 $0xA00  }
.LBB2_6:
0x3b: {  	[tilespmem:s21], [sflag:$0x1] =	stream.indirect.gather [hbm4b:s3+s16], $0x1, s22, s16, $0xb8;
	[tilespmem:$0x9000] =	vst v63  }
0x3c: {  	s21 =	smov.u32 s20;
	p0 =	sne.s32 s20, $0x10600  }
.Ltmp2:
0x3d: {  	s20 =	sadd.s32 $0x200, s20;
	(pc) =	sbr.rel @p0 .LBB2_6-.Ltmp2, $3  }
0x3e: {  	_ =	sdelay $0x1  }
0x3f: {  	s22 =	sshra.s32 s21, $0x2  }
0x40: {  	s21 =	sadd.s32 $0x4C00, s22;
	s22 =	sadd.s32 $0xA00, s22  }
0x41: {  	[tilespmem:s21], [sflag:$0x1] =	stream.indirect.gather [hbm4b:s3+s16], $0x1, s22, s16, $0xb8;
	[tilespmem:$0x9000] =	vst v63  }
0x42: {  	_ =	swait.ge [sflag:s17], $0x4200  }
0x43: {  	s20 =	simm.s32 $0x0;
	[sflag:s17] =	ssyncset.done $0x0  }
0x44: {  	s21 =	simm.s32 $0x0;
	s22 =	simm.s32 $0x0;
	[sflag:s17] =	ssyncadd.s32 $0xFFFFBE00  }
.LBB2_8:
0x45: {  	s23 =	sshll.u32 s22, $0x4  }
0x46: {  	s24 =	sand.u32 $0x180, s23;
	s25 =	sand.u32 $0x70, s23  }
0x47: {  	v1 =	vld [tilespmem:s23+$0x4C00];
	s26 =	sor.u32 s25, s24  }
0x48: {  	v2 =	vld [tilespmem:s26+$0x4E00]  }
0x49: {  	v3 =	vld [tilespmem:s26+$0x5000]  }
0x4a: {  	v4 =	vld [tilespmem:s26+$0x5200]  }
0x4b: {  	v5 =	vld [tilespmem:s26+$0x5400]  }
0x4c: {  	v6 =	vld [tilespmem:s26+$0x5600]  }
0x4d: {  	v1 =	vmax.f32 v1, v2;
	v2 =	vld [tilespmem:s26+$0x5800]  }
0x4e: {  	v1 =	vmax.f32 v1, v3;
	v3 =	vld [tilespmem:s26+$0x5A00]  }
0x4f: {  	v1 =	vmax.f32 v1, v4;
	v4 =	vld [tilespmem:s26+$0x5C00]  }
0x50: {  	v1 =	vmax.f32 v1, v5;
	v5 =	vld [tilespmem:s26+$0x5E00]  }
0x51: {  	v1 =	vmax.f32 v1, v6;
	v6 =	vld [tilespmem:s26+$0x6000]  }
0x52: {  	v1 =	vmax.f32 v1, v2;
	v2 =	vld [tilespmem:s26+$0x6200]  }
0x53: {  	v1 =	vmax.f32 v1, v3;
	v3 =	vld [tilespmem:s26+$0x6400]  }
0x54: {  	v1 =	vmax.f32 v1, v4;
	v4 =	vld [tilespmem:s26+$0x6600]  }
0x55: {  	v1 =	vmax.f32 v1, v5;
	v5 =	vld [tilespmem:s26+$0x6800]  }
0x56: {  	v1 =	vmax.f32 v1, v6;
	v6 =	vld [tilespmem:s26+$0x6A00]  }
0x57: {  	v1 =	vmax.f32 v1, v2;
	v2 =	vld [tilespmem:s26+$0x6C00]  }
0x58: {  	v1 =	vmax.f32 v1, v3;
	v3 =	vld [tilespmem:s26+$0x6E00]  }
0x59: {  	v1 =	vmax.f32 v1, v4;
	v4 =	vld [tilespmem:s26+$0x7000]  }
0x5a: {  	v1 =	vmax.f32 v1, v5;
	v5 =	vld [tilespmem:s26+$0x7200]  }
0x5b: {  	v1 =	vmax.f32 v1, v6;
	v6 =	vld [tilespmem:s26+$0x7400]  }
0x5c: {  	v1 =	vmax.f32 v1, v2;
	v2 =	vld [tilespmem:s26+$0x7600]  }
0x5d: {  	s28 =	sshll.u32 s21, $0x2;
	s29 =	sand.u32 $0x7, s20;
	v1 =	vmax.f32 v1, v3;
	v3 =	vld [tilespmem:s26+$0x7800]  }
0x5e: {  	s28 =	sand.u32 $0xFFFFFE00, s28;
	s29 =	sshll.u32 s29, $0x6;
	v1 =	vmax.f32 v1, v4;
	v4 =	vld [tilespmem:s26+$0x7A00]  }
0x5f: {  	s28 =	sor.u32 s29, s28;
	v1 =	vmax.f32 v1, v5;
	v5 =	vld [tilespmem:s26+$0x7C00]  }
0x60: {  	s28 =	sshrl.u32 s28, $0x2;
	v1 =	vmax.f32 v1, v6;
	v6 =	vld [tilespmem:s26+$0x7E00]  }
0x61: {  	v7 =	vld [tilespmem:s26+$0x8000];
	s28 =	sadd.s32 $0x4C00, s28;
	v1 =	vmax.f32 v1, v2  }
0x62: {  	v2 =	vmov s28;
	v1 =	vmax.f32 v1, v3;
	v3 =	vld [tilespmem:s26+$0x8200]  }
0x63: {  	v1 =	vmax.f32 v1, v4;
	v4 =	vld [tilespmem:s26+$0x8400]  }
0x64: {  	v1 =	vmax.f32 v1, v5;
	v5 =	vld [tilespmem:s26+$0x8600]  }
0x65: {  	v1 =	vmax.f32 v1, v6;
	v6 =	vld [tilespmem:s26+$0x8800]  }
0x66: {  	s29 =	simm.s32 $0x0;
	v1 =	vmax.f32 v1, v7;
	v7 =	vld [tilespmem:s26+$0x8A00]  }
0x67: {  	v1 =	vmax.f32 v1, v3;
	v3 =	vld.idx.msk [tilespmem:v2+s29+$0x0 ss:$0x1], $0xffff  }
0x68: {  	v1 =	vmax.f32 v1, v4  }
0x69: {  	s30 =	simm.s32 $0x200;
	v1 =	vmax.f32 v1, v5  }
0x6a: {  	v4 =	vld.idx.msk [tilespmem:v2+s30+$0x0 ss:$0x1], $0xffff;
	v1 =	vmax.f32 v1, v6  }
0x6b: {  	v1 =	vmax.f32 v1, v7  }
0x6c: {  	v3 =	vsub.f32 v3, v1;
	_ =	sdelay $0x1  }
0x6d: {  	v3 =	vmul.f32 $1.442695020e+00, v3  }
0x6e: {  	v4 =	vsub.f32 v4, v1  }
0x6f: {  	(erf) = vpow2.f32 v3  }
0x70: {  	v5 =	vmul.f32 $1.442695020e+00, v4  }
0x71: {  	s31 =	simm.s32 $0x400  }
0x72: {  	v4 =	vld.idx.msk [tilespmem:v2+s31+$0x0 ss:$0x1], $0xffff;
	(erf) = vpow2.f32 v5;
	_ =	sdelay $0x2  }
0x73: {  	s26 =	simm.s32 $0x1800;
	v3 =	vimm.f32 $0.0e+00  }
.LBB2_9:
0x74: {  	s28 =	sshra.s32 s26, $0x2;
	p0 =	sne.s32 s26, $0xF800;
	s26 =	sadd.s32 $0x800, s26  }
.Ltmp3:
0x75: {  	v5 =	vsub.f32 v4, v1;
	v4 =	vld.idx.msk [tilespmem:v2+s28+$0x0 ss:$0x1], $0xffff;
	(pc) =	sbr.rel @p0 .LBB2_9-.Ltmp3, $3  }
0x76: {  	v6 =	vpop (erf)  }
0x77: {  	v5 =	vmul.f32 $1.442695020e+00, v5;
	v3 =	vadd.f32 v6, v3;
	_ =	sdelay $0x1  }
0x78: {  	(erf) = vpow2.f32 v5  }
0x79: {  	v2 =	vsub.f32 v4, v1;
	_ =	sdelay $0x1  }
0x7a: {  	v2 =	vmul.f32 $1.442695020e+00, v2;
	_ =	sdelay $0x1  }
0x7b: {  	(erf) = vpow2.f32 v2;
	_ =	sdelay $0x4  }
0x7c: {  	v2 =	vpop (erf)  }
0x7d: {  	v2 =	vadd.f32 v2, v3  }
0x7e: {  	v3 =	vpop (erf)  }
0x7f: {  	v2 =	vadd.f32 v3, v2  }
0x80: {  	v3 =	vpop (erf)  }
0x81: {  	v2 =	vadd.f32 v3, v2;
	_ =	sdelay $0x1  }
0x82: {  	v3 =	vand.u32 $0x7FFFFF, v2  }
0x83: {  	v3 =	vor.u32 $0x3F800000, v3  }
0x84: {  	v61 =	vmul.f32 $5.000000000e-01, v3  }
0x85: {  	vm0 =	vgt.f32 v3, $1.414213540e+00  }
0x86: {  	v3 =	vsel vm0, v61, v3  }
0x87: {  	v4 =	vadd.f32 $1.000000000e+00, v3;
	_ =	sdelay $0x1  }
0x88: {  	(erf) = vrcp.f32 v4;
	_ =	sdelay $0x7  }
0x89: {  	v3 =	vadd.f32 $-1.000000000e+00, v3  }
0x8a: {  	v4 =	vpop (erf)  }
0x8b: {  	v3 =	vmul.f32 v4, v3;
	_ =	sdelay $0x1  }
0x8c: {  	v4 =	vmul.f32 v3, v3;
	_ =	sdelay $0x1  }
0x8d: {  	v5 =	vmul.f32 $1.111111120e-01, v4;
	_ =	sdelay $0x1  }
0x8e: {  	v5 =	vadd.f32 $1.428571490e-01, v5;
	_ =	sdelay $0x1  }
0x8f: {  	v5 =	vmul.f32 v5, v4;
	_ =	sdelay $0x1  }
0x90: {  	v5 =	vadd.f32 $2.000000030e-01, v5;
	_ =	sdelay $0x1  }
0x91: {  	v5 =	vmul.f32 v5, v4;
	_ =	sdelay $0x1  }
0x92: {  	v5 =	vadd.f32 $3.333333430e-01, v5;
	_ =	sdelay $0x1  }
0x93: {  	v2 =	vshrl.u32 v2, $0x17;
	v62 =	vsel vm0, $0xFFFFFF82, v0;
	v4 =	vmul.f32 v5, v4  }
0x94: {  	v2 =	vadd.s32 v2, v62  }
0x95: {  	v2 =	vcvt.s32.f32 v2;
	v3 =	vadd.f32 v3, v3;
	v4 =	vadd.f32 $1.000000000e+00, v4;
	_ =	sdelay $0x1  }
0x96: {  	s24 =	sadd.s32 s25, s24;
	v2 =	vmul.f32 $6.931471820e-01, v2;
	v3 =	vmul.f32 v4, v3  }
0x97: {  	v63 =	vld [tilespmem:s24+$0x8C00]  }
0x98: {  	s22 =	sadd.s32 $0x1, s22;
	v2 =	vadd.f32 v3, v2  }
0x99: {  	p0 =	sne.s32 s22, $0x20  }
.Ltmp4:
0x9a: {  	v1 =	vadd.f32 v2, v1;
	(pc) =	sbr.rel @p0 .LBB2_8-.Ltmp4, $3  }
0x9b: {  	_ = 	snop  }
0x9c: {  	v1 =	vsub.f32 v63, v1;
	_ =	sdelay $0x1  }
0x9d: {  	s21 =	sadd.s32 $0x10, s21;
	s20 =	sadd.s32 $0x1, s20;
	[tilespmem:s23+$0x8E00] =	vst v1  }
0x9e: {  	s19 =	sadd.s32 $0x1, s19  }
0x9f: {  	p0 =	sne.s32 s19, s10  }
.Ltmp5:
0xa0: {  	_ = 	snop;
	(pc) =	sbr.rel @p0 .LBB2_1-.Ltmp5, $4  }
0xa1: {  	[hbm4b:s9+s2] =	stream.linear.scatter [tilespmem:s18], [sflag:$0x2], $0x200, $0x38;
	[tilespmem:$0x9000] =	vst v63  }
0xa2: {  	_ =	swait.ge [sflag:s11], $0x200  }
0xa3: {  	[sflag:s11] =	ssyncset.done $0x0  }
0xa4: {  	[sflag:s11] =	ssyncadd.s32 $0xFFFFFE00  }
0xa5: {  	_ =	sfence.sel $0x180000  }
0xa6: {  	[bflag:$0x0] =	sbarrier.arrive $0xFFFF  }
0xa7: {  	p0 =	sne.s32 s1, $0x0;
	_ =	strace $0x90000047  }
0xa8: {  	s0 =	sadd.s32 @!p0 $0x100000, s0;
	[bflag:$0x2] =	sbarrier.arrive $0xFFFF  }
0xa9: {  	[sflag:s0] =	ssyncadd.tile.s32 @!p0 $0x1;
	_ =	shalt  }
.Lfunc_end2:
_tile_overlayer_lowered:
.L_overlay_start_2:
0xaa: {  	(tag) =	ssettag $0x2  }
0xab: {  	s0 =	rddreg [dreg:$0x0];
	s2 =	stileid.u32  }
0xac: {  	s1 =	rddreg [dreg:$0x1];
	p0 =	sne.s32 s2, $0x0  }
0xad: {  	s3 =	rddreg [dreg:$0x2];
	[bflag:$0x3] =	sbarrier.arrive $0xFFFF;
	s2 =	simm.s32 @!p0 $0x1C02  }
0xae: {  	[timem:s3], [sflag:s2] =	dma.local @!p0 [hbm:s0], s1  }
0xaf: {  	s0 =	simm.s32 @!p0 $0x2  }
0xb0: {  	_ =	swait.ge @!p0 [sflag:s0], s1  }
0xb1: {  	s1 =	ssub.s32 @!p0 $0x0, s1;
	[sflag:s0] =	ssyncset.done @!p0 $0x0  }
0xb2: {  	[sflag:s0] =	ssyncadd.s32 @!p0 s1  }
0xb3: {  	[bflag:$0x3] =	sbarrier.arrive $0xFFFF  }
0xb4: {  	_ =	shalt  }

</sc_bundles>
